<compile_context>
chip_gen: v7x
topology: tpu7x:2x2x1
jax: 0.10.2.dev20260603
libtpu: 0.0.44.dev20260713+nightly
codegen_flags: <defaults>
</compile_context>

<pallas_src>
import functools

import jax
import jax.numpy as jnp
from jax import lax
from jax.experimental import pallas as pl
from jax.experimental.pallas import tpu as pltpu
from jax.experimental.pallas import tpu_sc as plsc

VOCAB = 100000
BATCH = 1024
SEQ = 200
LANES = 16
NUM_CORES = 2
NUM_SUBCORES = 16
NUM_WORKERS = NUM_CORES * NUM_SUBCORES
ROWS_PER_WORKER = BATCH // NUM_WORKERS
SEQ_PAD = 208
CHUNKS = SEQ_PAD // LANES


def _count_body(tok_hbm, val_hbm, out_hbm, unused_out, tok_v, val_v, row_buf):
    wid = lax.axis_index("s") * NUM_CORES + lax.axis_index("c")
    base = wid * ROWS_PER_WORKER

    zeros16 = jnp.zeros((LANES,), jnp.float32)

    def zero_body(i, carry):
        row_buf[pl.ds(i * LANES, LANES)] = zeros16
        return carry

    lax.fori_loop(0, VOCAB // LANES, zero_body, 0)

    def row_body(r, carry):
        row = base + r
        pltpu.sync_copy(tok_hbm.at[row], tok_v)
        pltpu.sync_copy(val_hbm.at[row], val_v)
        for c in range(CHUNKS):
            idx = tok_v[pl.ds(c * LANES, LANES)]
            v = val_v[pl.ds(c * LANES, LANES)]
            plsc.addupdate_scatter(row_buf, [idx], v)
        pltpu.sync_copy(row_buf, out_hbm.at[row])
        for c in range(CHUNKS):
            idx = tok_v[pl.ds(c * LANES, LANES)]
            plsc.store_scatter(row_buf, [idx], zeros16)
        return carry

    lax.fori_loop(0, ROWS_PER_WORKER, row_body, 0)


_count_kernel = functools.partial(
    pl.kernel,
    out_type=jax.ShapeDtypeStruct((8,), jnp.float32),
    mesh=plsc.VectorSubcoreMesh(core_axis_name="c", subcore_axis_name="s"),
    scratch_types=[
        pltpu.VMEM((SEQ_PAD,), jnp.int32),
        pltpu.VMEM((SEQ_PAD,), jnp.float32),
        pltpu.VMEM((VOCAB,), jnp.float32),
    ],
    compiler_params=pltpu.CompilerParams(needs_layout_passes=False),
)(_count_body)


@jax.jit
def kernel(token_ids, mask):
    tok = jnp.pad(token_ids.astype(jnp.int32), ((0, 0), (0, SEQ_PAD - SEQ)))
    val = jnp.pad(mask.astype(jnp.float32), ((0, 0), (0, SEQ_PAD - SEQ)))
    out_ref = jax.empty_ref(
        jax.ShapeDtypeStruct((BATCH, VOCAB), jnp.float32))
    _count_kernel(tok, val, out_ref)
    return out_ref[...]

# --- scband reference (transcript-rebuilt; emitter-appended) ---
"""Pipeline reference for scband-count-embedder-45286135169615 (READ-ONLY COPY).

The authoritative reference and input builder live on the scoring server;
editing this copy changes nothing except your own understanding.
"""

import jax, jax.numpy as jnp
import numpy as np

VOCAB_SIZE = 100000
BATCH = 1024
SEQ = 200

def setup_inputs(seed: int = 0) -> dict:
    key = jax.random.key(seed)
    k1, k2 = jax.random.split(key)
    token_ids = jax.random.randint(k1, (BATCH, SEQ), 0, VOCAB_SIZE)
    mask = jax.random.randint(k2, (BATCH, SEQ), 0, 2).astype(jnp.bool_)
    return {"token_ids": token_ids, "mask": mask}

def reference(token_ids, mask):
    # Faithful vectorized translation of CountEmbedder.forward with ignore_oov=False:
    # per-document masked bincount over the vocabulary -> bag-of-words counts.
    B, L = token_ids.shape
    rows = jnp.broadcast_to(jnp.arange(B)[:, None], (B, L))
    counts = jnp.zeros((B, VOCAB_SIZE), dtype=jnp.float32)
    counts = counts.at[rows.reshape(-1), token_ids.reshape(-1)].add(mask.astype(jnp.float32).reshape(-1))
    return counts

if __name__ == "__main__":
    import jax
    _d = setup_inputs()
    print(jax.jit(kernel)(*tuple(_d.values())))

</pallas_src>

<mosaic_0001>
#map = affine_map<(d0, d1) -> (0, 0)>
#map1 = affine_map<(d0, d1) -> (0)>
module attributes {stable_mosaic.version = 14 : i64} {
  func.func @new_body(%arg0: i32, %arg1: i32, %arg2: memref<1024x208xi32, #tpu.memory_space<hbm>>, %arg3: memref<1024x208xf32, #tpu.memory_space<hbm>>, %arg4: memref<1024x100000xf32, #tpu.memory_space<hbm>>, %arg5: memref<8xf32, #tpu.memory_space<hbm>>, %arg6: memref<1024x100000xf32, #tpu.memory_space<hbm>>, %arg7: memref<208xi32, #tpu.memory_space<vmem>>, %arg8: memref<208xf32, #tpu.memory_space<vmem>>, %arg9: memref<100000xf32, #tpu.memory_space<vmem>>) attributes {dimension_semantics = [#tpu.dimension_semantics<core_parallel>, #tpu.dimension_semantics<subcore_parallel>], iteration_bounds = array<i64: 2, 16>, scalar_prefetch = 0 : i64, scratch_operands = 3 : i64, tpu.core_type = #tpu.core_type<sc_vector_subcore>, window_params = [{transform_indices = #map}, {transform_indices = #map}, {transform_indices = #map}, {transform_indices = #map1}, {transform_indices = #map}]} {
    %mul3A = arith.constant 2 : i32
    %mul3A_0 = arith.muli %arg1, %mul3A : i32
    %add3A = arith.addi %mul3A_0, %arg0 : i32
    %mul3A_1 = arith.constant 32 : i32
    %mul3A_2 = arith.muli %add3A, %mul3A_1 : i32
    %broadcast_in_dim3A = arith.constant 0.000000e+00 : f32
    %broadcast_in_dim3A_3 = vector.broadcast %broadcast_in_dim3A : f32 to vector<16xf32>
    %scan3A = arith.constant 0 : i32
    %scan3A_4 = arith.constant 0 : i32
    %scan3A_5 = arith.constant 6250 : i32
    %scan3A_6 = arith.addi %scan3A_4, %scan3A_5 : i32
    %scan3A_7 = arith.constant 1 : i32
    scf.for %scan3A_15 = %scan3A_4 to %scan3A_6 step %scan3A_7  : i32 {
      %mul3A_16 = arith.constant 16 : i32
      %mul3A_17 = arith.muli %scan3A_15, %mul3A_16 : i32
      %swap3A = arith.index_cast %mul3A_17 : i32 to index
      %swap3A_18 = tpu.vector_load %arg9[%swap3A] {strides = array<i32>} : memref<100000xf32, #tpu.memory_space<vmem>>, vector<16xf32>,
      tpu.vector_store %arg9[%swap3A], %broadcast_in_dim3A_3 {strides = array<i32>} : memref<100000xf32, #tpu.memory_space<vmem>>, vector<16xf32>,
    }
    %scan3A_8 = arith.constant 6250 : i32
    %scan3A_9 = arith.constant 0 : i32
    %scan3A_10 = arith.constant 0 : i32
    %scan3A_11 = arith.constant 32 : i32
    %scan3A_12 = arith.addi %scan3A_10, %scan3A_11 : i32
    %scan3A_13 = arith.constant 1 : i32
    scf.for %scan3A_15 = %scan3A_10 to %scan3A_12 step %scan3A_13  : i32 {
      %add3A_16 = arith.addi %mul3A_2, %scan3A_15 : i32
      "tpu.region"() ({
        %run_scoped3A = tpu.sem_alloc : memref<!tpu.dma_semaphore, #tpu.memory_space<semaphore_mem>>
        %dma_start3A = arith.constant 0 : i32
        %dma_start3A_94 = tpu.memref_slice %arg2[%add3A_16, %dma_start3A] : memref<1024x208xi32, #tpu.memory_space<hbm>> -> memref<1x208xi32, #tpu.memory_space<hbm>>
        %dma_start3A_95 = tpu.memref_squeeze %dma_start3A_94 : memref<1x208xi32, #tpu.memory_space<hbm>> -> memref<208xi32, #tpu.memory_space<hbm>>
        %dma_start3A_96 = arith.constant 0 : i32
        %dma_start3A_97 = tpu.memref_slice %arg2[%add3A_16, %dma_start3A_96] : memref<1024x208xi32, #tpu.memory_space<hbm>> -> memref<1x208xi32, #tpu.memory_space<hbm>>
        %dma_start3A_98 = tpu.memref_squeeze %dma_start3A_97 : memref<1x208xi32, #tpu.memory_space<hbm>> -> memref<208xi32, #tpu.memory_space<hbm>>
        tpu.enqueue_dma source(%dma_start3A_98 : memref<208xi32, #tpu.memory_space<hbm>>) target(%arg7 : memref<208xi32, #tpu.memory_space<vmem>>) target_semaphore(%run_scoped3A : memref<!tpu.dma_semaphore, #tpu.memory_space<semaphore_mem>>)
        %dma_wait3A = arith.constant 0 : i32
        %dma_wait3A_99 = tpu.memref_slice %arg2[%add3A_16, %dma_wait3A] : memref<1024x208xi32, #tpu.memory_space<hbm>> -> memref<1x208xi32, #tpu.memory_space<hbm>>
        %dma_wait3A_100 = tpu.memref_squeeze %dma_wait3A_99 : memref<1x208xi32, #tpu.memory_space<hbm>> -> memref<208xi32, #tpu.memory_space<hbm>>
        %dma_wait3A_101 = arith.constant 0 : i32
        %dma_wait3A_102 = tpu.memref_slice %arg2[%add3A_16, %dma_wait3A_101] : memref<1024x208xi32, #tpu.memory_space<hbm>> -> memref<1x208xi32, #tpu.memory_space<hbm>>
        %dma_wait3A_103 = tpu.memref_squeeze %dma_wait3A_102 : memref<1x208xi32, #tpu.memory_space<hbm>> -> memref<208xi32, #tpu.memory_space<hbm>>
        tpu.wait_dma2 semaphore(%run_scoped3A : memref<!tpu.dma_semaphore, #tpu.memory_space<semaphore_mem>>) src(%dma_wait3A_103 : memref<208xi32, #tpu.memory_space<hbm>>) dst(%arg7 : memref<208xi32, #tpu.memory_space<vmem>>)
        tpu.yield
      }) : () -> ()
      "tpu.region"() ({
        %run_scoped3A = tpu.sem_alloc : memref<!tpu.dma_semaphore, #tpu.memory_space<semaphore_mem>>
        %dma_start3A = arith.constant 0 : i32
        %dma_start3A_94 = tpu.memref_slice %arg3[%add3A_16, %dma_start3A] : memref<1024x208xf32, #tpu.memory_space<hbm>> -> memref<1x208xf32, #tpu.memory_space<hbm>>
        %dma_start3A_95 = tpu.memref_squeeze %dma_start3A_94 : memref<1x208xf32, #tpu.memory_space<hbm>> -> memref<208xf32, #tpu.memory_space<hbm>>
        %dma_start3A_96 = arith.constant 0 : i32
        %dma_start3A_97 = tpu.memref_slice %arg3[%add3A_16, %dma_start3A_96] : memref<1024x208xf32, #tpu.memory_space<hbm>> -> memref<1x208xf32, #tpu.memory_space<hbm>>
        %dma_start3A_98 = tpu.memref_squeeze %dma_start3A_97 : memref<1x208xf32, #tpu.memory_space<hbm>> -> memref<208xf32, #tpu.memory_space<hbm>>
        tpu.enqueue_dma source(%dma_start3A_98 : memref<208xf32, #tpu.memory_space<hbm>>) target(%arg8 : memref<208xf32, #tpu.memory_space<vmem>>) target_semaphore(%run_scoped3A : memref<!tpu.dma_semaphore, #tpu.memory_space<semaphore_mem>>)
        %dma_wait3A = arith.constant 0 : i32
        %dma_wait3A_99 = tpu.memref_slice %arg3[%add3A_16, %dma_wait3A] : memref<1024x208xf32, #tpu.memory_space<hbm>> -> memref<1x208xf32, #tpu.memory_space<hbm>>
        %dma_wait3A_100 = tpu.memref_squeeze %dma_wait3A_99 : memref<1x208xf32, #tpu.memory_space<hbm>> -> memref<208xf32, #tpu.memory_space<hbm>>
        %dma_wait3A_101 = arith.constant 0 : i32
        %dma_wait3A_102 = tpu.memref_slice %arg3[%add3A_16, %dma_wait3A_101] : memref<1024x208xf32, #tpu.memory_space<hbm>> -> memref<1x208xf32, #tpu.memory_space<hbm>>
        %dma_wait3A_103 = tpu.memref_squeeze %dma_wait3A_102 : memref<1x208xf32, #tpu.memory_space<hbm>> -> memref<208xf32, #tpu.memory_space<hbm>>
        tpu.wait_dma2 semaphore(%run_scoped3A : memref<!tpu.dma_semaphore, #tpu.memory_space<semaphore_mem>>) src(%dma_wait3A_103 : memref<208xf32, #tpu.memory_space<hbm>>) dst(%arg8 : memref<208xf32, #tpu.memory_space<vmem>>)
        tpu.yield
      }) : () -> ()
      %get3A = arith.constant 0 : index
      %get3A_17 = tpu.vector_load %arg7[%get3A] {strides = array<i32>} : memref<208xi32, #tpu.memory_space<vmem>>, vector<16xi32>,
      %get3A_18 = arith.constant 0 : index
      %get3A_19 = tpu.vector_load %arg8[%get3A_18] {strides = array<i32>} : memref<208xf32, #tpu.memory_space<vmem>>, vector<16xf32>,
      tpu.vector_store_idx %arg9[%get3A_17], %get3A_19 {add = true} : memref<100000xf32, #tpu.memory_space<vmem>>[vector<16xi32>], vector<16xf32>,
      %get3A_20 = arith.constant 16 : index
      %get3A_21 = tpu.vector_load %arg7[%get3A_20] {strides = array<i32>} : memref<208xi32, #tpu.memory_space<vmem>>, vector<16xi32>,
      %get3A_22 = arith.constant 16 : index
      %get3A_23 = tpu.vector_load %arg8[%get3A_22] {strides = array<i32>} : memref<208xf32, #tpu.memory_space<vmem>>, vector<16xf32>,
      tpu.vector_store_idx %arg9[%get3A_21], %get3A_23 {add = true} : memref<100000xf32, #tpu.memory_space<vmem>>[vector<16xi32>], vector<16xf32>,
      %get3A_24 = arith.constant 32 : index
      %get3A_25 = tpu.vector_load %arg7[%get3A_24] {strides = array<i32>} : memref<208xi32, #tpu.memory_space<vmem>>, vector<16xi32>,
      %get3A_26 = arith.constant 32 : index
      %get3A_27 = tpu.vector_load %arg8[%get3A_26] {strides = array<i32>} : memref<208xf32, #tpu.memory_space<vmem>>, vector<16xf32>,
      tpu.vector_store_idx %arg9[%get3A_25], %get3A_27 {add = true} : memref<100000xf32, #tpu.memory_space<vmem>>[vector<16xi32>], vector<16xf32>,
      %get3A_28 = arith.constant 48 : index
      %get3A_29 = tpu.vector_load %arg7[%get3A_28] {strides = array<i32>} : memref<208xi32, #tpu.memory_space<vmem>>, vector<16xi32>,
      %get3A_30 = arith.constant 48 : index
      %get3A_31 = tpu.vector_load %arg8[%get3A_30] {strides = array<i32>} : memref<208xf32, #tpu.memory_space<vmem>>, vector<16xf32>,
      tpu.vector_store_idx %arg9[%get3A_29], %get3A_31 {add = true} : memref<100000xf32, #tpu.memory_space<vmem>>[vector<16xi32>], vector<16xf32>,
      %get3A_32 = arith.constant 64 : index
      %get3A_33 = tpu.vector_load %arg7[%get3A_32] {strides = array<i32>} : memref<208xi32, #tpu.memory_space<vmem>>, vector<16xi32>,
      %get3A_34 = arith.constant 64 : index
      %get3A_35 = tpu.vector_load %arg8[%get3A_34] {strides = array<i32>} : memref<208xf32, #tpu.memory_space<vmem>>, vector<16xf32>,
      tpu.vector_store_idx %arg9[%get3A_33], %get3A_35 {add = true} : memref<100000xf32, #tpu.memory_space<vmem>>[vector<16xi32>], vector<16xf32>,
      %get3A_36 = arith.constant 80 : index
      %get3A_37 = tpu.vector_load %arg7[%get3A_36] {strides = array<i32>} : memref<208xi32, #tpu.memory_space<vmem>>, vector<16xi32>,
      %get3A_38 = arith.constant 80 : index
      %get3A_39 = tpu.vector_load %arg8[%get3A_38] {strides = array<i32>} : memref<208xf32, #tpu.memory_space<vmem>>, vector<16xf32>,
      tpu.vector_store_idx %arg9[%get3A_37], %get3A_39 {add = true} : memref<100000xf32, #tpu.memory_space<vmem>>[vector<16xi32>], vector<16xf32>,
      %get3A_40 = arith.constant 96 : index
      %get3A_41 = tpu.vector_load %arg7[%get3A_40] {strides = array<i32>} : memref<208xi32, #tpu.memory_space<vmem>>, vector<16xi32>,
      %get3A_42 = arith.constant 96 : index
      %get3A_43 = tpu.vector_load %arg8[%get3A_42] {strides = array<i32>} : memref<208xf32, #tpu.memory_space<vmem>>, vector<16xf32>,
      tpu.vector_store_idx %arg9[%get3A_41], %get3A_43 {add = true} : memref<100000xf32, #tpu.memory_space<vmem>>[vector<16xi32>], vector<16xf32>,
      %get3A_44 = arith.constant 112 : index
      %get3A_45 = tpu.vector_load %arg7[%get3A_44] {strides = array<i32>} : memref<208xi32, #tpu.memory_space<vmem>>, vector<16xi32>,
      %get3A_46 = arith.constant 112 : index
      %get3A_47 = tpu.vector_load %arg8[%get3A_46] {strides = array<i32>} : memref<208xf32, #tpu.memory_space<vmem>>, vector<16xf32>,
      tpu.vector_store_idx %arg9[%get3A_45], %get3A_47 {add = true} : memref<100000xf32, #tpu.memory_space<vmem>>[vector<16xi32>], vector<16xf32>,
      %get3A_48 = arith.constant 128 : index
      %get3A_49 = tpu.vector_load %arg7[%get3A_48] {strides = array<i32>} : memref<208xi32, #tpu.memory_space<vmem>>, vector<16xi32>,
      %get3A_50 = arith.constant 128 : index
      %get3A_51 = tpu.vector_load %arg8[%get3A_50] {strides = array<i32>} : memref<208xf32, #tpu.memory_space<vmem>>, vector<16xf32>,
      tpu.vector_store_idx %arg9[%get3A_49], %get3A_51 {add = true} : memref<100000xf32, #tpu.memory_space<vmem>>[vector<16xi32>], vector<16xf32>,
      %get3A_52 = arith.constant 144 : index
      %get3A_53 = tpu.vector_load %arg7[%get3A_52] {strides = array<i32>} : memref<208xi32, #tpu.memory_space<vmem>>, vector<16xi32>,
      %get3A_54 = arith.constant 144 : index
      %get3A_55 = tpu.vector_load %arg8[%get3A_54] {strides = array<i32>} : memref<208xf32, #tpu.memory_space<vmem>>, vector<16xf32>,
      tpu.vector_store_idx %arg9[%get3A_53], %get3A_55 {add = true} : memref<100000xf32, #tpu.memory_space<vmem>>[vector<16xi32>], vector<16xf32>,
      %get3A_56 = arith.constant 160 : index
      %get3A_57 = tpu.vector_load %arg7[%get3A_56] {strides = array<i32>} : memref<208xi32, #tpu.memory_space<vmem>>, vector<16xi32>,
      %get3A_58 = arith.constant 160 : index
      %get3A_59 = tpu.vector_load %arg8[%get3A_58] {strides = array<i32>} : memref<208xf32, #tpu.memory_space<vmem>>, vector<16xf32>,
      tpu.vector_store_idx %arg9[%get3A_57], %get3A_59 {add = true} : memref<100000xf32, #tpu.memory_space<vmem>>[vector<16xi32>], vector<16xf32>,
      %get3A_60 = arith.constant 176 : index
      %get3A_61 = tpu.vector_load %arg7[%get3A_60] {strides = array<i32>} : memref<208xi32, #tpu.memory_space<vmem>>, vector<16xi32>,
      %get3A_62 = arith.constant 176 : index
      %get3A_63 = tpu.vector_load %arg8[%get3A_62] {strides = array<i32>} : memref<208xf32, #tpu.memory_space<vmem>>, vector<16xf32>,
      tpu.vector_store_idx %arg9[%get3A_61], %get3A_63 {add = true} : memref<100000xf32, #tpu.memory_space<vmem>>[vector<16xi32>], vector<16xf32>,
      %get3A_64 = arith.constant 192 : index
      %get3A_65 = tpu.vector_load %arg7[%get3A_64] {strides = array<i32>} : memref<208xi32, #tpu.memory_space<vmem>>, vector<16xi32>,
      %get3A_66 = arith.constant 192 : index
      %get3A_67 = tpu.vector_load %arg8[%get3A_66] {strides = array<i32>} : memref<208xf32, #tpu.memory_space<vmem>>, vector<16xf32>,
      tpu.vector_store_idx %arg9[%get3A_65], %get3A_67 {add = true} : memref<100000xf32, #tpu.memory_space<vmem>>[vector<16xi32>], vector<16xf32>,
      "tpu.region"() ({
        %run_scoped3A = tpu.sem_alloc : memref<!tpu.dma_semaphore, #tpu.memory_space<semaphore_mem>>
        %dma_start3A = arith.constant 0 : i32
        %dma_start3A_94 = tpu.memref_slice %arg4[%add3A_16, %dma_start3A] : memref<1024x100000xf32, #tpu.memory_space<hbm>> -> memref<1x100000xf32, #tpu.memory_space<hbm>>
        %dma_start3A_95 = tpu.memref_squeeze %dma_start3A_94 : memref<1x100000xf32, #tpu.memory_space<hbm>> -> memref<100000xf32, #tpu.memory_space<hbm>>
        %dma_start3A_96 = arith.constant 0 : i32
        %dma_start3A_97 = tpu.memref_slice %arg4[%add3A_16, %dma_start3A_96] : memref<1024x100000xf32, #tpu.memory_space<hbm>> -> memref<1x100000xf32, #tpu.memory_space<hbm>>
        %dma_start3A_98 = tpu.memref_squeeze %dma_start3A_97 : memref<1x100000xf32, #tpu.memory_space<hbm>> -> memref<100000xf32, #tpu.memory_space<hbm>>
        tpu.enqueue_dma source(%arg9 : memref<100000xf32, #tpu.memory_space<vmem>>) target(%dma_start3A_98 : memref<100000xf32, #tpu.memory_space<hbm>>) target_semaphore(%run_scoped3A : memref<!tpu.dma_semaphore, #tpu.memory_space<semaphore_mem>>)
        %dma_wait3A = arith.constant 0 : i32
        %dma_wait3A_99 = tpu.memref_slice %arg4[%add3A_16, %dma_wait3A] : memref<1024x100000xf32, #tpu.memory_space<hbm>> -> memref<1x100000xf32, #tpu.memory_space<hbm>>
        %dma_wait3A_100 = tpu.memref_squeeze %dma_wait3A_99 : memref<1x100000xf32, #tpu.memory_space<hbm>> -> memref<100000xf32, #tpu.memory_space<hbm>>
        %dma_wait3A_101 = arith.constant 0 : i32
        %dma_wait3A_102 = tpu.memref_slice %arg4[%add3A_16, %dma_wait3A_101] : memref<1024x100000xf32, #tpu.memory_space<hbm>> -> memref<1x100000xf32, #tpu.memory_space<hbm>>
        %dma_wait3A_103 = tpu.memref_squeeze %dma_wait3A_102 : memref<1x100000xf32, #tpu.memory_space<hbm>> -> memref<100000xf32, #tpu.memory_space<hbm>>
        tpu.wait_dma2 semaphore(%run_scoped3A : memref<!tpu.dma_semaphore, #tpu.memory_space<semaphore_mem>>) src(%arg9 : memref<100000xf32, #tpu.memory_space<vmem>>) dst(%dma_wait3A_103 : memref<100000xf32, #tpu.memory_space<hbm>>)
        tpu.yield
      }) : () -> ()
      %get3A_68 = arith.constant 0 : index
      %get3A_69 = tpu.vector_load %arg7[%get3A_68] {strides = array<i32>} : memref<208xi32, #tpu.memory_space<vmem>>, vector<16xi32>,
      tpu.vector_store_idx %arg9[%get3A_69], %broadcast_in_dim3A_3 : memref<100000xf32, #tpu.memory_space<vmem>>[vector<16xi32>], vector<16xf32>,
      %get3A_70 = arith.constant 16 : index
      %get3A_71 = tpu.vector_load %arg7[%get3A_70] {strides = array<i32>} : memref<208xi32, #tpu.memory_space<vmem>>, vector<16xi32>,
      tpu.vector_store_idx %arg9[%get3A_71], %broadcast_in_dim3A_3 : memref<100000xf32, #tpu.memory_space<vmem>>[vector<16xi32>], vector<16xf32>,
      %get3A_72 = arith.constant 32 : index
      %get3A_73 = tpu.vector_load %arg7[%get3A_72] {strides = array<i32>} : memref<208xi32, #tpu.memory_space<vmem>>, vector<16xi32>,
      tpu.vector_store_idx %arg9[%get3A_73], %broadcast_in_dim3A_3 : memref<100000xf32, #tpu.memory_space<vmem>>[vector<16xi32>], vector<16xf32>,
      %get3A_74 = arith.constant 48 : index
      %get3A_75 = tpu.vector_load %arg7[%get3A_74] {strides = array<i32>} : memref<208xi32, #tpu.memory_space<vmem>>, vector<16xi32>,
      tpu.vector_store_idx %arg9[%get3A_75], %broadcast_in_dim3A_3 : memref<100000xf32, #tpu.memory_space<vmem>>[vector<16xi32>], vector<16xf32>,
      %get3A_76 = arith.constant 64 : index
      %get3A_77 = tpu.vector_load %arg7[%get3A_76] {strides = array<i32>} : memref<208xi32, #tpu.memory_space<vmem>>, vector<16xi32>,
      tpu.vector_store_idx %arg9[%get3A_77], %broadcast_in_dim3A_3 : memref<100000xf32, #tpu.memory_space<vmem>>[vector<16xi32>], vector<16xf32>,
      %get3A_78 = arith.constant 80 : index
      %get3A_79 = tpu.vector_load %arg7[%get3A_78] {strides = array<i32>} : memref<208xi32, #tpu.memory_space<vmem>>, vector<16xi32>,
      tpu.vector_store_idx %arg9[%get3A_79], %broadcast_in_dim3A_3 : memref<100000xf32, #tpu.memory_space<vmem>>[vector<16xi32>], vector<16xf32>,
      %get3A_80 = arith.constant 96 : index
      %get3A_81 = tpu.vector_load %arg7[%get3A_80] {strides = array<i32>} : memref<208xi32, #tpu.memory_space<vmem>>, vector<16xi32>,
      tpu.vector_store_idx %arg9[%get3A_81], %broadcast_in_dim3A_3 : memref<100000xf32, #tpu.memory_space<vmem>>[vector<16xi32>], vector<16xf32>,
      %get3A_82 = arith.constant 112 : index
      %get3A_83 = tpu.vector_load %arg7[%get3A_82] {strides = array<i32>} : memref<208xi32, #tpu.memory_space<vmem>>, vector<16xi32>,
      tpu.vector_store_idx %arg9[%get3A_83], %broadcast_in_dim3A_3 : memref<100000xf32, #tpu.memory_space<vmem>>[vector<16xi32>], vector<16xf32>,
      %get3A_84 = arith.constant 128 : index
      %get3A_85 = tpu.vector_load %arg7[%get3A_84] {strides = array<i32>} : memref<208xi32, #tpu.memory_space<vmem>>, vector<16xi32>,
      tpu.vector_store_idx %arg9[%get3A_85], %broadcast_in_dim3A_3 : memref<100000xf32, #tpu.memory_space<vmem>>[vector<16xi32>], vector<16xf32>,
      %get3A_86 = arith.constant 144 : index
      %get3A_87 = tpu.vector_load %arg7[%get3A_86] {strides = array<i32>} : memref<208xi32, #tpu.memory_space<vmem>>, vector<16xi32>,
      tpu.vector_store_idx %arg9[%get3A_87], %broadcast_in_dim3A_3 : memref<100000xf32, #tpu.memory_space<vmem>>[vector<16xi32>], vector<16xf32>,
      %get3A_88 = arith.constant 160 : index
      %get3A_89 = tpu.vector_load %arg7[%get3A_88] {strides = array<i32>} : memref<208xi32, #tpu.memory_space<vmem>>, vector<16xi32>,
      tpu.vector_store_idx %arg9[%get3A_89], %broadcast_in_dim3A_3 : memref<100000xf32, #tpu.memory_space<vmem>>[vector<16xi32>], vector<16xf32>,
      %get3A_90 = arith.constant 176 : index
      %get3A_91 = tpu.vector_load %arg7[%get3A_90] {strides = array<i32>} : memref<208xi32, #tpu.memory_space<vmem>>, vector<16xi32>,
      tpu.vector_store_idx %arg9[%get3A_91], %broadcast_in_dim3A_3 : memref<100000xf32, #tpu.memory_space<vmem>>[vector<16xi32>], vector<16xf32>,
      %get3A_92 = arith.constant 192 : index
      %get3A_93 = tpu.vector_load %arg7[%get3A_92] {strides = array<i32>} : memref<208xi32, #tpu.memory_space<vmem>>, vector<16xi32>,
      tpu.vector_store_idx %arg9[%get3A_93], %broadcast_in_dim3A_3 : memref<100000xf32, #tpu.memory_space<vmem>>[vector<16xi32>], vector<16xf32>,
    }
    %scan3A_14 = arith.constant 32 : i32
    return
  }
}

</mosaic_0001>

<sc_bundles>
// kernel: kernel.3.cloned.1.call-start
scs
__scs_entry_jumppad:
0x0: {  	(pc) =	sbr.rel $0x88, $3  }
0x1: {  	(tag) =	ssettag $0x0;
	lr =	simm.s32 $0x1  }
0x2: {  	[smem:$0x3F9F] =	sst lr;
	_ =	strace $0xD0000000  }
0x3: {  	_ = 	snop  }
0x4: {  	_ = 	snop  }
0x5: {  	_ = 	snop  }
0x6: {  	_ = 	snop  }
0x7: {  	_ = 	snop  }
__scs_overlays_trampoline_lowered:
0x8: {  	[smem:$0x3FAE] =	sst s0  }
0x9: {  	[smem:$0x3FAF] =	sst s1  }
0xa: {  	[smem:$0x3FB0] =	sst s2  }
0xb: {  	[smem:$0x3FB1] =	sst s3  }
0xc: {  	[smem:$0x3FB2] =	sst s4  }
0xd: {  	[smem:$0x3FB3] =	sst s5  }
0xe: {  	[smem:$0x3FB4] =	sst s6  }
0xf: {  	[smem:$0x3FB5] =	sst s7  }
0x10: {  	[smem:$0x3FB6] =	sst s8  }
0x11: {  	[smem:$0x3FB7] =	sst s9;
	s0 =	simm.s32 @!p0 $0x0  }
0x12: {  	s1 =	sld [smem:$0x3F9D];
	s0 =	simm.s32 @p0 $0x1  }
0x13: {  	[smem:$0x3FB8] =	sst s0;
	s0 =	simm.s32 @!p1 $0x0  }
0x14: {  	s2 =	sld [smem:$0x3F9C];
	s0 =	simm.s32 @p1 $0x1  }
0x15: {  	[smem:$0x3FB9] =	sst s0;
	s0 =	simm.s32 @!p2 $0x0  }
0x16: {  	s3 =	sld [smem:$0x3FDB];
	s0 =	simm.s32 @p2 $0x1  }
0x17: {  	s4 =	simm.s32 $0x1BF5;
	[smem:$0x3FBB] =	sst s0  }
0x18: {  	s0 =	sld [smem:$0x3F9E];
	_ =	swait.ge [sflag:s4], $0x0  }
0x19: {  	s7 =	sld [smem:$0x3F9F]  }
0x1a: {  	s8 =	sadd.s32 $0xFFFFE003, lr  }
0x1b: {  	s9 =	sadd.s32 $0xFFFFFEF7, lr;
	s5 =	simm.s32 $0xFFFFFFFF;
	p2 =	slt.u32 s8, $0xFFFFF086  }
0x1c: {  	p1 =	slt.u32 s9, $0xF7A;
	s5 =	simm.s32 @!p2 $0x0  }
0x1d: {  	s5 =	simm.s32 @p1 $0x1;
	p0 =	seq.s32 s7, s2  }
0x1e: {  	s7 =	smul.u32 @!p0 $0xF7A, s2;
	p2 =	seq.s32 @!p0 s5, $0x0  }
0x1f: {  	s9 =	smul.u32 $0xF7A, s1;
	s8 =	simm.s32 @!p0 $0x1BF5;
	p2 =	por !p2, p0  }
0x20: {  	[sflag:s8] =	ssyncset.s32 @!p0 $0xFFFFF086;
	s6 =	sadd.s32 @!p0 s3, s7;
	s7 =	simm.s32 @!p0 $0x108  }
0x21: {  	s3 =	sadd.s32 s3, s9;
	s6 =	sadd.s32 @!p0 $0x88, s6;
	s7 =	simm.s32 @p2 $0x1082  }
0x22: {  	[simem:s7], [sflag:s8] =	dma.local @!p0 [hbm:s6], $0xF7A  }
0x23: {  	s9 =	sor.u32 $0xD0000000, s2;
	s6 =	simm.s32 $0x108;
	_ =	swait.ge @!p0 [sflag:s8], $0x0  }
0x24: {  	s3 =	sadd.s32 $0x88, s3;
	s6 =	simm.s32 @!p1 $0x1082;
	[sflag:s4] =	ssyncset.s32 $0xFFFFF086  }
0x25: {  	[simem:s6], [sflag:s4] =	dma.local [hbm:s3], $0xF7A  }
0x26: {  	[smem:$0x3F9F] =	sst s1;
	(tag) =	ssettag s2;
	_ =	strace s9  }
0x27: {  	s1 =	sld [smem:$0x3FAF]  }
0x28: {  	s2 =	sld [smem:$0x3FB0]  }
0x29: {  	s4 =	sld [smem:$0x3FB2]  }
0x2a: {  	p0 =	seq.s32 s5, $0x0;
	s5 =	sld [smem:$0x3FB3]  }
0x2b: {  	s6 =	sld [smem:$0x3FB4]  }
0x2c: {  	s7 =	sld [smem:$0x3FB5]  }
0x2d: {  	s3 =	simm.s32 $0x108;
	s8 =	sld [smem:$0x3FB6]  }
0x2e: {  	s3 =	simm.s32 @!p0 $0x1082;
	s9 =	sld [smem:$0x3FB7]  }
0x2f: {  	lr =	sadd.s32 s0, s3;
	s0 =	sld [smem:$0x3FAE]  }
0x30: {  	s3 =	sld [smem:$0x3FB1]  }
0x31: {  	[smem:$0x3FBA] =	sst s10  }
0x32: {  	s10 =	sld [smem:$0x3FB8];
	_ =	sdelay $0x3  }
0x33: {  	p0 =	seq.s32 s10, $0x1;
	s10 =	sld [smem:$0x3FBA];
	_ =	sdelay $0x3  }
0x34: {  	[smem:$0x3FBA] =	sst s10  }
0x35: {  	s10 =	sld [smem:$0x3FB9];
	_ =	sdelay $0x3  }
0x36: {  	p1 =	seq.s32 s10, $0x1;
	s10 =	sld [smem:$0x3FBA];
	_ =	sdelay $0x3  }
0x37: {  	[smem:$0x3FBA] =	sst s10  }
0x38: {  	s10 =	sld [smem:$0x3FBB]  }
0x39: {  	_ = 	snop;
	(pc) =	sbr.ind lr, $3  }
0x3a: {  	_ = 	snop  }
0x3b: {  	_ = 	snop  }
0x3c: {  	p2 =	seq.s32 s10, $0x1;
	s10 =	sld [smem:$0x3FBA]  }
0x3d: {  	_ =	shalt  }
0x3e: {  	_ =	shalt  }
0x3f: {  	_ =	shalt  }
0x40: {  	_ =	shalt  }
0x41: {  	_ =	shalt  }
0x42: {  	_ =	shalt  }
0x43: {  	_ =	shalt  }
0x44: {  	_ =	shalt  }
0x45: {  	_ =	shalt  }
0x46: {  	_ =	shalt  }
0x47: {  	_ =	shalt  }
0x48: {  	_ =	shalt  }
0x49: {  	_ =	shalt  }
0x4a: {  	_ =	shalt  }
0x4b: {  	_ =	shalt  }
0x4c: {  	_ =	shalt  }
0x4d: {  	_ =	shalt  }
0x4e: {  	_ =	shalt  }
0x4f: {  	_ =	shalt  }
0x50: {  	_ =	shalt  }
0x51: {  	_ =	shalt  }
0x52: {  	_ =	shalt  }
0x53: {  	_ =	shalt  }
0x54: {  	_ =	shalt  }
0x55: {  	_ =	shalt  }
0x56: {  	_ =	shalt  }
0x57: {  	_ =	shalt  }
0x58: {  	_ =	shalt  }
0x59: {  	_ =	shalt  }
0x5a: {  	_ =	shalt  }
0x5b: {  	_ =	shalt  }
0x5c: {  	_ =	shalt  }
0x5d: {  	_ =	shalt  }
0x5e: {  	_ =	shalt  }
0x5f: {  	_ =	shalt  }
0x60: {  	_ =	shalt  }
0x61: {  	_ =	shalt  }
0x62: {  	_ =	shalt  }
0x63: {  	_ =	shalt  }
0x64: {  	_ =	shalt  }
0x65: {  	_ =	shalt  }
0x66: {  	_ =	shalt  }
0x67: {  	_ =	shalt  }
0x68: {  	_ =	shalt  }
0x69: {  	_ =	shalt  }
0x6a: {  	_ =	shalt  }
0x6b: {  	_ =	shalt  }
0x6c: {  	_ =	shalt  }
0x6d: {  	_ =	shalt  }
0x6e: {  	_ =	shalt  }
0x6f: {  	_ =	shalt  }
0x70: {  	_ =	shalt  }
0x71: {  	_ =	shalt  }
0x72: {  	_ =	shalt  }
0x73: {  	_ =	shalt  }
0x74: {  	_ =	shalt  }
0x75: {  	_ =	shalt  }
0x76: {  	_ =	shalt  }
0x77: {  	_ =	shalt  }
0x78: {  	_ =	shalt  }
0x79: {  	_ =	shalt  }
0x7a: {  	_ =	shalt  }
0x7b: {  	_ =	shalt  }
0x7c: {  	_ =	shalt  }
0x7d: {  	_ =	shalt  }
0x7e: {  	_ =	shalt  }
0x7f: {  	_ =	shalt  }
0x80: {  	_ =	shalt  }
0x81: {  	_ =	shalt  }
0x82: {  	_ =	shalt  }
0x83: {  	_ =	shalt  }
0x84: {  	_ =	shalt  }
0x85: {  	_ =	shalt  }
0x86: {  	_ =	shalt  }
0x87: {  	_ =	shalt  }
.Lfunc_end0:
.L_simem_size_0:
called_computation_lowered:
.L_overlay_start_0:
0x88: {  	s2 =	sld [smem:$0x3FD9]  }
0x89: {  	s3 =	sld [smem:$0x3FFE];
	_ =	sdelay $0x1  }
0x8a: {  	s1 =	srdreg.scid  }
0x8b: {  	s0 =	sand.u32 $0x1, s1  }
0x8c: {  	s17 =	sshll.u32 s0, $0xA;
	s2 =	sadd.s32 s3, s2  }
0x8d: {  	s2 =	sadd.s32 s2, s17  }
0x8e: {  	[smem:$0x3FC6] =	sst s2  }
0x8f: {  	_ = 	snop  }
0x90: {  	s2 =	sld [smem:$0x3FD0];
	(tm) =	ssettm $0x1  }
0x91: {  	s18 =	sld [smem:$0x3FFB];
	_ =	sdelay $0x3  }
0x92: {  	_ =	strace s18  }
0x93: {  	s3 =	sld [smem:$0x3FFC];
	_ =	sdelay $0x3  }
0x94: {  	_ =	strace s3  }
0x95: {  	s3 =	sld [smem:$0x3FFD];
	_ =	sdelay $0x3  }
0x96: {  	_ =	strace s3  }
0x97: {  	_ =	strace $0x8FFFFFFF  }
0x98: {  	s19 =	sld [smem:$0x3FDB];
	_ =	sdelay $0x1  }
0x99: {  	s4 =	simm.s32 $_scs_section_size  }
0x9a: {  	s5 =	simm.s32 $_size__tile_overlayer_lowered;
	s6 =	simm.s32 $_tile_overlayer_lowered  }
0x9b: {  	s22 =	simm.s32 $0x1BFF;
	s21 =	sshll.u32 s6, $0x1;
	s3 =	sadd.s32 s4, s19  }
0x9c: {  	s7 =	simm.s32 $0x0;
	s20 =	sshll.u32 s5, $0x1;
	s5 =	sadd.s32 s21, s3  }
0x9d: {  	[timem:s7], [sflag:s22] =	dma.local [hbm:s5], s20  }
0x9e: {  	_ =	swait.ge [sflag:s22], s20  }
0x9f: {  	s4 =	ssub.s32 $0x0, s20;
	[sflag:s22] =	ssyncset.done $0x0  }
0xa0: {  	[sflag:s22] =	ssyncadd.s32 s4;
	_ =	sdelay $0x1  }
0xa1: {  	s23 =	simm.s32 $0x1B8B  }
0xa2: {  	_ =	swait.ge [sflag:s23], $0x1  }
0xa3: {  	[sflag:s23] =	ssyncset.done $0x0  }
0xa4: {  	s25 =	simm.s32 $0x1B8E;
	s24 =	sld [smem:$0x3FFE];
	[sflag:s23] =	ssyncadd.s32 $0xFFFFFFFF  }
0xa5: {  	s26 =	simm.s32 $execute0_lowered;
	[smem:$0x3FD2] =	sst s25  }
0xa6: {  	s5 =	sshll.u32 s26, $0x1;
	_ =	strace $0x80000046;
	[dreg:$0x1] =	wrdreg $0xFFFFFFFF  }
0xa7: {  	s28 =	simm.s32 $_size_execute0_lowered;
	s3 =	sadd.s32 s3, s5;
	[dreg:$0x0] =	wrdreg $0x0  }
0xa8: {  	s5 =	sshll.u32 s28, $0x1;
	[dreg:$0x2] =	wrdreg s3  }
0xa9: {  	[dreg:$0x3] =	wrdreg s5  }
0xaa: {  	[dreg:$0x4] =	wrdreg $0xC0  }
0xab: {  	_ =	task [dreg:s7], $0x5FFFF  }
0xac: {  	[dreg:$0x1] =	wrdreg $0xFFFFFFFF  }
0xad: {  	[dreg:$0x0] =	wrdreg $0x60  }
0xae: {  	[dreg:$0x2] =	wrdreg s2  }
0xaf: {  	[dreg:$0x3] =	wrdreg s24  }
0xb0: {  	[dreg:$0x4] =	wrdreg $0x9  }
0xb1: {  	_ =	task.clear_ibuf [dreg:s7], $0x5FFFF;
	_ =	strace $0x90000046  }
0xb2: {  	s29 =	simm.s32 $0x9;
	_ =	strace $0x80000048  }
0xb3: {  	_ =	swait.ge [sflag:s29], $0x1  }
0xb4: {  	[sflag:s29] =	ssyncadd.s32 $0xFFFFFFFF  }
0xb5: {  	_ =	strace $0x90000048  }
0xb6: {  	_ =	sfence  }
0xb7: {  	s30 =	sld [smem:$0x0];
	_ =	sdelay $0x2  }
0xb8: {  	s31 =	sshll.u32 s1, $0xD;
	s1 =	sshrl.u32 s1, $0x2  }
0xb9: {  	s3 =	sand.u32 $0x4000, s31;
	s1 =	sadd.s32 s1, s30  }
0xba: {  	s0 =	sor.u32 s3, s0;
	s1 =	sshll.u32 s1, $0x11  }
0xbb: {  	s0 =	sor.u32 s1, s0  }
0xbc: {  	s0 =	sadd.s32 $0x8F2B, s0  }
0xbd: {  	[sflag:s0] =	ssyncadd.remote.s32 $0x1  }
0xbe: {  	_ =	sfence.sel $0xFFFF  }
0xbf: {  	[dreg:$0x0] =	wrdreg $0xFFFFFFFF;
	(pc) =	sbr.abs _section_cstart, $3  }
0xc0: {  	[dreg:$0x1] =	wrdreg $0xFFFFFFFF  }
0xc1: {  	_ =	task.clear_ibuf [dreg:s7], $0x2FFFF;
	_ =	strace $0x9FFFFFFF  }
0xc2: {  	(tm) =	ssettm $0x7FFFFFFF  }
0xc3: {  	_ =	shalt  }
tec
execute0_lowered:
.L_overlay_start_1:
0x0: {  	(tag) =	ssettag $0x1  }
0x1: {  	s1 =	rddreg [dreg:$0x0]  }
0x2: {  	s5 =	rddreg [dreg:$0x1]  }
0x3: {  	s0 =	rddreg [dreg:$0x2]  }
0x4: {  	s2 =	simm.s32 $0x0;
	s3 =	srdreg.scid;
	s10 =	simm.s32 $0x1  }
0x5: {  	s11 =	simm.s32 $0x100;
	s12 =	simm.s32 $0x200;
	s13 =	simm.s32 $0x0  }
0x6: {  	[smem:$0x7FF] =	sst s2;
	s6 =	sand.u32 $0x1, s3;
	s4 =	sadd.s32 $0xC38800, s5  }
0x7: {  	s3 =	stileid.u32;
	s5 =	sadd.s32 $0x800, s5;
	s7 =	ssub.s32 $0x2, s6  }
0x8: {  	_ =	strace $0x80000047;
	s31 =	sshll.u32 s3, $0x6;
	s8 =	sshrl.u32 s7, $0x1  }
0x9: {  	s9 =	sshll.u32 s6, $0x5;
	s7 =	ssub.s32 s7, s8;
	s8 =	simm.s32 $0x80  }
0xa: {  	v0 =	vimm.f32 $0.0e+00;
	s6 =	smax.u32 s7, $0x1;
	s7 =	sor.u32 s9, s31;
	s9 =	simm.s32 $0x400  }
.LBB2_1:
0xb: {  	s14 =	simm.s32 $0x0  }
.LBB2_2:
0xc: {  	p0 =	sne.s32 s14, $0x61A40  }
.Ltmp0:
0xd: {  	_ = 	snop;
	(pc) =	sbr.rel @p0 .LBB2_2-.Ltmp0, $3  }
0xe: {  	_ =	sdelay $0x1  }
0xf: {  	s15 =	sshra.s32 s14, $0x2  }
0x10: {  	s14 =	sadd.s32 $0x40, s14;
	[tilespmem:s15+$0x200] =	vst v0  }
0x11: {  	s14 =	simm.s32 $0x0;
	s15 =	smov.u32 s7  }
.LBB2_4:
0x12: {  	s16 =	sshrl.u32 s15, $0x3  }
0x13: {  	s17 =	sand.u32 $0x380, s14;
	s18 =	sshll.u32 s16, $0xB  }
0x14: {  	s18 =	sor.u32 s17, s18  }
0x15: {  	s18 =	sshrl.u32 s18, $0x3  }
0x16: {  	s19 =	sadd.s32 s1, s18  }
0x17: {  	[tilespmem:s2], [sflag:$0x1] =	stream.strided.gather [hbm4b:s19+s8], $0x100, s9, s8, $0x38;
	[tilespmem:$0x18900] =	vst v63  }
0x18: {  	_ =	swait.ge [sflag:s10], $0x100  }
0x19: {  	[sflag:s10] =	ssyncset.done $0x0  }
0x1a: {  	s18 =	sadd.s32 s4, s18;
	[sflag:s10] =	ssyncadd.s32 $0xFFFFFF00  }
0x1b: {  	[tilespmem:s11], [sflag:$0x1] =	stream.strided.gather [hbm4b:s18+s8], $0x100, s9, s8, $0x38;
	[tilespmem:$0x18900] =	vst v63  }
0x1c: {  	_ =	swait.ge [sflag:s10], $0x100  }
0x1d: {  	[sflag:s10] =	ssyncset.done $0x0  }
0x1e: {  	[sflag:s10] =	ssyncadd.s32 $0xFFFFFF00  }
0x1f: {  	v1 =	vld [tilespmem:$0x0];
	_ =	sdelay $0x2  }
0x20: {  	v2 =	vld [tilespmem:$0x100];
	_ =	sdelay $0x4  }
0x21: {  	[tilespmem:v1+s12+$0x0] =	vst.idx.add.f32.msk $0xffff, v2  }
0x22: {  	v1 =	vld [tilespmem:$0x10];
	_ =	sdelay $0x2  }
0x23: {  	v2 =	vld [tilespmem:$0x110];
	_ =	sdelay $0x4  }
0x24: {  	[tilespmem:v1+s12+$0x0] =	vst.idx.add.f32.msk $0xffff, v2  }
0x25: {  	v1 =	vld [tilespmem:$0x20];
	_ =	sdelay $0x2  }
0x26: {  	v2 =	vld [tilespmem:$0x120];
	_ =	sdelay $0x4  }
0x27: {  	[tilespmem:v1+s12+$0x0] =	vst.idx.add.f32.msk $0xffff, v2  }
0x28: {  	v1 =	vld [tilespmem:$0x30];
	_ =	sdelay $0x2  }
0x29: {  	v2 =	vld [tilespmem:$0x130];
	_ =	sdelay $0x4  }
0x2a: {  	[tilespmem:v1+s12+$0x0] =	vst.idx.add.f32.msk $0xffff, v2  }
0x2b: {  	v1 =	vld [tilespmem:$0x40];
	_ =	sdelay $0x2  }
0x2c: {  	v2 =	vld [tilespmem:$0x140];
	_ =	sdelay $0x4  }
0x2d: {  	[tilespmem:v1+s12+$0x0] =	vst.idx.add.f32.msk $0xffff, v2  }
0x2e: {  	v1 =	vld [tilespmem:$0x50];
	_ =	sdelay $0x2  }
0x2f: {  	v2 =	vld [tilespmem:$0x150];
	_ =	sdelay $0x4  }
0x30: {  	[tilespmem:v1+s12+$0x0] =	vst.idx.add.f32.msk $0xffff, v2  }
0x31: {  	v1 =	vld [tilespmem:$0x60];
	_ =	sdelay $0x2  }
0x32: {  	v2 =	vld [tilespmem:$0x160];
	_ =	sdelay $0x4  }
0x33: {  	[tilespmem:v1+s12+$0x0] =	vst.idx.add.f32.msk $0xffff, v2  }
0x34: {  	v1 =	vld [tilespmem:$0x70];
	_ =	sdelay $0x2  }
0x35: {  	v2 =	vld [tilespmem:$0x170];
	_ =	sdelay $0x4  }
0x36: {  	[tilespmem:v1+s12+$0x0] =	vst.idx.add.f32.msk $0xffff, v2  }
0x37: {  	v1 =	vld [tilespmem:$0x80];
	_ =	sdelay $0x2  }
0x38: {  	v2 =	vld [tilespmem:$0x180];
	_ =	sdelay $0x4  }
0x39: {  	[tilespmem:v1+s12+$0x0] =	vst.idx.add.f32.msk $0xffff, v2  }
0x3a: {  	v1 =	vld [tilespmem:$0x90];
	_ =	sdelay $0x2  }
0x3b: {  	v2 =	vld [tilespmem:$0x190];
	_ =	sdelay $0x4  }
0x3c: {  	[tilespmem:v1+s12+$0x0] =	vst.idx.add.f32.msk $0xffff, v2  }
0x3d: {  	v1 =	vld [tilespmem:$0xA0];
	_ =	sdelay $0x2  }
0x3e: {  	v2 =	vld [tilespmem:$0x1A0];
	_ =	sdelay $0x4  }
0x3f: {  	[tilespmem:v1+s12+$0x0] =	vst.idx.add.f32.msk $0xffff, v2  }
0x40: {  	v1 =	vld [tilespmem:$0xB0];
	_ =	sdelay $0x2  }
0x41: {  	v2 =	vld [tilespmem:$0x1B0];
	_ =	sdelay $0x4  }
0x42: {  	[tilespmem:v1+s12+$0x0] =	vst.idx.add.f32.msk $0xffff, v2  }
0x43: {  	v1 =	vld [tilespmem:$0xC0];
	_ =	sdelay $0x2  }
0x44: {  	v2 =	vld [tilespmem:$0x1C0]  }
0x45: {  	s16 =	smul.u32 $0xC3800, s16;
	_ =	sdelay $0x1  }
0x46: {  	s16 =	sor.u32 s17, s16  }
0x47: {  	s16 =	sshrl.u32 s16, $0x3  }
0x48: {  	s16 =	sadd.s32 s5, s16;
	[tilespmem:v1+s12+$0x0] =	vst.idx.add.f32.msk $0xffff, v2  }
0x49: {  	[hbm4b:s16+s8] =	stream.strided.scatter [tilespmem:s12], [sflag:$0x1], $0x18700, s9, s8, $0x38;
	[tilespmem:$0x18900] =	vst v63  }
0x4a: {  	_ =	swait.ge [sflag:s10], $0x18700  }
0x4b: {  	[sflag:s10] =	ssyncset.done $0x0  }
0x4c: {  	[sflag:s10] =	ssyncadd.s32 $0xFFFE7900  }
0x4d: {  	v1 =	vld [tilespmem:$0x0];
	_ =	sdelay $0x7  }
0x4e: {  	[tilespmem:v1+s12+$0x0] =	vst.idx.msk $0xffff, v0  }
0x4f: {  	v1 =	vld [tilespmem:$0x10];
	_ =	sdelay $0x7  }
0x50: {  	[tilespmem:v1+s12+$0x0] =	vst.idx.msk $0xffff, v0  }
0x51: {  	v1 =	vld [tilespmem:$0x20];
	_ =	sdelay $0x7  }
0x52: {  	[tilespmem:v1+s12+$0x0] =	vst.idx.msk $0xffff, v0  }
0x53: {  	v1 =	vld [tilespmem:$0x30];
	_ =	sdelay $0x7  }
0x54: {  	[tilespmem:v1+s12+$0x0] =	vst.idx.msk $0xffff, v0  }
0x55: {  	v1 =	vld [tilespmem:$0x40];
	_ =	sdelay $0x7  }
0x56: {  	[tilespmem:v1+s12+$0x0] =	vst.idx.msk $0xffff, v0  }
0x57: {  	v1 =	vld [tilespmem:$0x50];
	_ =	sdelay $0x7  }
0x58: {  	[tilespmem:v1+s12+$0x0] =	vst.idx.msk $0xffff, v0  }
0x59: {  	v1 =	vld [tilespmem:$0x60];
	_ =	sdelay $0x7  }
0x5a: {  	[tilespmem:v1+s12+$0x0] =	vst.idx.msk $0xffff, v0  }
0x5b: {  	v1 =	vld [tilespmem:$0x70];
	_ =	sdelay $0x7  }
0x5c: {  	[tilespmem:v1+s12+$0x0] =	vst.idx.msk $0xffff, v0  }
0x5d: {  	v1 =	vld [tilespmem:$0x80];
	_ =	sdelay $0x7  }
0x5e: {  	[tilespmem:v1+s12+$0x0] =	vst.idx.msk $0xffff, v0  }
0x5f: {  	v1 =	vld [tilespmem:$0x90];
	_ =	sdelay $0x7  }
0x60: {  	[tilespmem:v1+s12+$0x0] =	vst.idx.msk $0xffff, v0  }
0x61: {  	v1 =	vld [tilespmem:$0xA0];
	_ =	sdelay $0x7  }
0x62: {  	[tilespmem:v1+s12+$0x0] =	vst.idx.msk $0xffff, v0  }
0x63: {  	v1 =	vld [tilespmem:$0xB0];
	_ =	sdelay $0x7  }
0x64: {  	[tilespmem:v1+s12+$0x0] =	vst.idx.msk $0xffff, v0  }
0x65: {  	v1 =	vld [tilespmem:$0xC0];
	_ =	sdelay $0x2  }
0x66: {  	p0 =	sne.s32 s14, $0xF80  }
.Ltmp1:
0x67: {  	_ = 	snop;
	(pc) =	sbr.rel @p0 .LBB2_4-.Ltmp1, $2  }
0x68: {  	_ =	sdelay $0x2  }
0x69: {  	s15 =	sadd.s32 $0x1, s15;
	s14 =	sadd.s32 $0x80, s14;
	[tilespmem:v1+s12+$0x0] =	vst.idx.msk $0xffff, v0  }
0x6a: {  	s13 =	sadd.s32 $0x1, s13  }
0x6b: {  	p0 =	sne.s32 s13, s6  }
.Ltmp2:
0x6c: {  	_ = 	snop;
	(pc) =	sbr.rel @p0 .LBB2_1-.Ltmp2, $1  }
0x6d: {  	_ =	sdelay $0x3  }
0x6e: {  	_ =	sfence.sel $0x180000  }
0x6f: {  	[bflag:$0x0] =	sbarrier.arrive $0xFFFF  }
0x70: {  	p0 =	sne.s32 s3, $0x0;
	_ =	strace $0x90000047  }
0x71: {  	s0 =	sadd.s32 @!p0 $0x100000, s0;
	[bflag:$0x2] =	sbarrier.arrive $0xFFFF  }
0x72: {  	[sflag:s0] =	ssyncadd.tile.s32 @!p0 $0x1;
	_ =	shalt  }
.Lfunc_end2:
_tile_overlayer_lowered:
.L_overlay_start_2:
0x73: {  	(tag) =	ssettag $0x2  }
0x74: {  	s0 =	rddreg [dreg:$0x0];
	s2 =	stileid.u32  }
0x75: {  	s1 =	rddreg [dreg:$0x1];
	p0 =	sne.s32 s2, $0x0  }
0x76: {  	s3 =	rddreg [dreg:$0x2];
	[bflag:$0x3] =	sbarrier.arrive $0xFFFF;
	s2 =	simm.s32 @!p0 $0x1C01  }
0x77: {  	[timem:s3], [sflag:s2] =	dma.local @!p0 [hbm:s0], s1  }
0x78: {  	s0 =	simm.s32 @!p0 $0x1  }
0x79: {  	_ =	swait.ge @!p0 [sflag:s0], s1  }
0x7a: {  	s1 =	ssub.s32 @!p0 $0x0, s1;
	[sflag:s0] =	ssyncset.done @!p0 $0x0  }
0x7b: {  	[sflag:s0] =	ssyncadd.s32 @!p0 s1  }
0x7c: {  	[bflag:$0x3] =	sbarrier.arrive $0xFFFF  }
0x7d: {  	_ =	shalt  }

</sc_bundles>
